<compile_context>
chip_gen: v7x
topology: tpu7x:2x2x1
jax: 0.10.2.dev20260603
libtpu: 0.0.44.dev20260713+nightly
codegen_flags: <defaults>
</compile_context>

<pallas_src>
import functools

import jax
import jax.numpy as jnp
from jax import lax
from jax.experimental import pallas as pl
from jax.experimental.pallas import tpu as pltpu
from jax.experimental.pallas import tpu_sc as plsc

N_NODES = 10000
IN_CH = 16
OUT_CH = 16
NEA = 4
YW = 128

NC = 2
NS = 16
L = 16
NW = NC * NS
NG = NW // 2
HALF = N_NODES // 2
ACC_ROWS = HALF + 8

CHUNK = 128


def _ymat_body(x_ref, w_ref, o_ref):
    o_ref[...] = jnp.dot(x_ref[...], w_ref[...], preferred_element_type=jnp.float32)


def _combine_body(p_ref, b_ref, o_ref):
    rows = HALF * OUT_CH // 128
    parts = p_ref[...].reshape(NG, 2 * rows, 128)
    summed = jnp.sum(parts, axis=0)
    o_ref[...] = jnp.maximum(summed + b_ref[...], 0.0)


def _make_sc_kernel(epg):
    nchunk = epg // CHUNK
    mesh = plsc.VectorSubcoreMesh(core_axis_name="c", subcore_axis_name="s")

    @functools.partial(
        pl.kernel,
        mesh=mesh,
        out_type=jax.ShapeDtypeStruct((NW * HALF * OUT_CH,), jnp.float32),
        scratch_types=[
            pltpu.VMEM((CHUNK,), jnp.int32),
            pltpu.VMEM((CHUNK,), jnp.int32),
            pltpu.VMEM((CHUNK * NEA,), jnp.float32),
            pltpu.VMEM((CHUNK, YW), jnp.float32),
            pltpu.VMEM((ACC_ROWS * OUT_CH,), jnp.float32),
            pltpu.SemaphoreType.DMA,
        ],
    )
    def sc_kernel(y_hbm, src_hbm, dst_hbm, attr_hbm, out_hbm,
                  sidx, didx, attr_v, rows, acc, sem):
        c = lax.axis_index("c")
        s = lax.axis_index("s")
        wid = s * NC + c
        g = wid // 2
        lo = (wid % 2) * HALF

        def zbody(i, carry):
            acc[pl.ds(i * L, L)] = jnp.zeros((L,), jnp.float32)
            return carry

        lax.fori_loop(0, ACC_ROWS, zbody, 0)

        iota = lax.iota(jnp.int32, L)
        base = g * epg

        def chunk_body(i, carry):
            off = base + i * CHUNK
            pltpu.sync_copy(src_hbm.at[pl.ds(off, CHUNK)], sidx)
            pltpu.sync_copy(dst_hbm.at[pl.ds(off, CHUNK)], didx)
            pltpu.sync_copy(attr_hbm.at[pl.ds(off * NEA, CHUNK * NEA)], attr_v)
            pltpu.async_copy(y_hbm.at[sidx], rows, sem).wait()

            def ebody(q, ecarry):
                d16 = didx[pl.ds(q * L, L)]
                a0 = attr_v[pl.ds(q * (4 * L), L)]
                a1 = attr_v[pl.ds(q * (4 * L) + L, L)]
                a2 = attr_v[pl.ds(q * (4 * L) + 2 * L, L)]
                a3 = attr_v[pl.ds(q * (4 * L) + 3 * L, L)]
                avecs = (a0, a1, a2, a3)
                for u in range(L):
                    e = q * L + u
                    av = avecs[u // 4]
                    j0 = (u % 4) * 4
                    m = (av[j0] * rows[e, pl.ds(0, L)]
                         + av[j0 + 1] * rows[e, pl.ds(L, L)]
                         + av[j0 + 2] * rows[e, pl.ds(2 * L, L)]
                         + av[j0 + 3] * rows[e, pl.ds(3 * L, L)])
                    dst = d16[u]
                    rel = dst - lo
                    ok = (rel >= 0) & (rel < HALF)
                    row = jnp.where(ok, rel, HALF)
                    w = row * L
                    acc[pl.ds(w, L)] = m
                return ecarry

            return carry

        lax.fori_loop(0, nchunk, chunk_body, 0)
        pltpu.sync_copy(acc.at[pl.ds(0, HALF * OUT_CH)],
                        out_hbm.at[pl.ds(wid * (HALF * OUT_CH), HALF * OUT_CH)])

    return sc_kernel


@jax.jit
def _run(x, src, dst, edge_attr, weight_matrix, bias):
    n_edges = src.shape[0]
    epg = -(-n_edges // (NG * CHUNK)) * CHUNK
    e_pad = epg * NG
    pad = e_pad - n_edges
    src_p = jnp.pad(src, (0, pad))
    dst_p = jnp.pad(dst, (0, pad))
    attr_p = jnp.pad(edge_attr, ((0, pad), (0, 0))).reshape(-1)

    wperm = weight_matrix.transpose(2, 0, 1).reshape(IN_CH, NEA * OUT_CH)
    wperm = jnp.pad(wperm, ((0, 0), (0, YW - NEA * OUT_CH)))
    y = pl.pallas_call(
        _ymat_body,
        out_shape=jax.ShapeDtypeStruct((N_NODES, YW), jnp.float32),
    )(x, wperm)

    rows = HALF * OUT_CH // 128
    parts = _make_sc_kernel(epg)(y, src_p, dst_p, attr_p).reshape(NW, rows, 128)
    bias_t = jnp.tile(bias, 128 // OUT_CH).reshape(1, 128)

    out = pl.pallas_call(
        _combine_body,
        out_shape=jax.ShapeDtypeStruct((2 * rows, 128), jnp.float32),
    )(parts, bias_t)
    return out.reshape(N_NODES, OUT_CH)


def kernel(x, edge_index, edge_attr, weight_matrix, bias):
    src = edge_index[0].astype(jnp.int32)
    dst = edge_index[1].astype(jnp.int32)
    return _run(x.astype(jnp.float32), src, dst,
                edge_attr.astype(jnp.float32),
                weight_matrix.astype(jnp.float32),
                bias.astype(jnp.float32))

# --- scband reference (transcript-rebuilt; emitter-appended) ---
"""Pipeline reference for scband-custom-graph-conv-point-point-37666863186140 (READ-ONLY COPY).

The authoritative reference and input builder live on the scoring server;
editing this copy changes nothing except your own understanding.
"""

import jax, jax.numpy as jnp
import numpy as np

N_NODES = 10000
N_EDGES = 320000
N_EDGE_ATTR = 4
IN_CH = 16
OUT_CH = 16


def setup_inputs(seed: int = 0) -> dict:
    key = jax.random.key(seed)
    k1, k2, k3 = jax.random.split(key, 3)
    x = jax.random.normal(k1, (N_NODES, IN_CH), dtype=jnp.float32)
    edge_index = jax.random.randint(k2, (2, N_EDGES), 0, N_NODES, dtype=jnp.int64)
    edge_attr = jax.random.uniform(k3, (N_EDGES, N_EDGE_ATTR), dtype=jnp.float32)
    # parameters per reset_parameters: weight_matrix ones, bias zeros
    weight_matrix = jnp.ones((N_EDGE_ATTR, OUT_CH, IN_CH), dtype=jnp.float32)
    bias = jnp.zeros((OUT_CH,), dtype=jnp.float32)
    return {"x": x, "edge_index": edge_index, "edge_attr": edge_attr,
            "weight_matrix": weight_matrix, "bias": bias}


def reference(x, edge_index, edge_attr, weight_matrix, bias):
    # PyG MessagePassing default flow: x_j = x[edge_index[0]] (source),
    # messages aggregated (add) at edge_index[1] (target).
    src = edge_index[0]
    dst = edge_index[1]
    x_j = jnp.take(x, src, axis=0)                              # [E, in]
    # message: per-edge weight matrices, einsum('ij,jkl->ikl')
    weights_matrices = jnp.einsum('ej,jkl->ekl', edge_attr, weight_matrix)  # [E, out, in]
    msgs = jnp.einsum('ekl,el->ek', weights_matrices, x_j)      # [E, out]
    # aggregate: scatter-add over destination nodes
    aggr_out = jax.ops.segment_sum(msgs, dst, num_segments=x.shape[0])  # [N, out]
    # update: relu(aggr + bias)
    return jax.nn.relu(aggr_out + bias)

if __name__ == "__main__":
    import jax
    _d = setup_inputs()
    print(jax.jit(kernel)(*tuple(_d.values())))

</pallas_src>

<mosaic_0001>
#map = affine_map<(d0, d1) -> (0, 0)>
#map1 = affine_map<(d0, d1) -> (0)>
module attributes {stable_mosaic.version = 14 : i64} {
  func.func @sc_kernel(%arg0: i32, %arg1: i32, %arg2: memref<10000x128xf32, #tpu.memory_space<hbm>>, %arg3: memref<321536xi32, #tpu.memory_space<hbm>>, %arg4: memref<321536xi32, #tpu.memory_space<hbm>>, %arg5: memref<1286144xf32, #tpu.memory_space<hbm>>, %arg6: memref<2560000xf32, #tpu.memory_space<hbm>>, %arg7: memref<128xi32, #tpu.memory_space<vmem>>, %arg8: memref<128xi32, #tpu.memory_space<vmem>>, %arg9: memref<512xf32, #tpu.memory_space<vmem>>, %arg10: memref<128x128xf32, #tpu.memory_space<vmem>>, %arg11: memref<80128xf32, #tpu.memory_space<vmem>>, %arg12: memref<!tpu.dma_semaphore, #tpu.memory_space<semaphore_mem>>) attributes {dimension_semantics = [#tpu.dimension_semantics<core_parallel>, #tpu.dimension_semantics<subcore_parallel>], iteration_bounds = array<i64: 2, 16>, scalar_prefetch = 0 : i64, scratch_operands = 6 : i64, tpu.core_type = #tpu.core_type<sc_vector_subcore>, window_params = [{transform_indices = #map}, {transform_indices = #map1}, {transform_indices = #map1}, {transform_indices = #map1}, {transform_indices = #map1}]} {
    %mul3A = arith.constant 2 : i32
    %mul3A_0 = arith.muli %arg1, %mul3A : i32
    %add3A = arith.addi %mul3A_0, %arg0 : i32
    %jit3A = arith.constant 2 : i32
    %div3A = arith.divsi %add3A, %jit3A : i32
    %sign3A = arith.constant 0 : i32
    %sign3A_1 = arith.cmpi sgt, %add3A, %sign3A : i32
    %sign3A_2 = arith.extui %sign3A_1 : i1 to i32
    %sign3A_3 = arith.constant 0 : i32
    %sign3A_4 = arith.cmpi slt, %add3A, %sign3A_3 : i32
    %sign3A_5 = arith.extui %sign3A_4 : i1 to i32
    %sign3A_6 = arith.subi %sign3A_2, %sign3A_5 : i32
    %sign3A_7 = arith.constant 0 : i32
    %sign3A_8 = arith.cmpi sgt, %jit3A, %sign3A_7 : i32
    %sign3A_9 = arith.extui %sign3A_8 : i1 to i32
    %sign3A_10 = arith.constant 0 : i32
    %sign3A_11 = arith.cmpi slt, %jit3A, %sign3A_10 : i32
    %sign3A_12 = arith.extui %sign3A_11 : i1 to i32
    %sign3A_13 = arith.subi %sign3A_9, %sign3A_12 : i32
    %ne3A = arith.cmpi ne, %sign3A_6, %sign3A_13 : i32
    %rem3A = arith.remsi %add3A, %jit3A : i32
    %ne3A_14 = arith.constant 0 : i32
    %ne3A_15 = arith.cmpi ne, %rem3A, %ne3A_14 : i32
    %and3A = arith.andi %ne3A, %ne3A_15 : i1
    %sub3A = arith.constant 1 : i32
    %sub3A_16 = arith.subi %div3A, %sub3A : i32
    %select_n3A = arith.select %and3A, %sub3A_16, %div3A : i32
    %jit3A_17 = arith.constant 2 : i32
    %eq3A = arith.constant 0 : i32
    %eq3A_18 = arith.cmpi eq, %jit3A_17, %eq3A : i32
    %jit3A_19 = arith.constant 1 : i32
    %select_n3A_20 = arith.select %eq3A_18, %jit3A_19, %jit3A_17 : i32
    %rem3A_21 = arith.remsi %add3A, %select_n3A_20 : i32
    %ne3A_22 = arith.constant 0 : i32
    %ne3A_23 = arith.cmpi ne, %rem3A_21, %ne3A_22 : i32
    %lt3A = arith.constant 0 : i32
    %lt3A_24 = arith.cmpi slt, %rem3A_21, %lt3A : i32
    %lt3A_25 = arith.constant 0 : i32
    %lt3A_26 = arith.cmpi slt, %select_n3A_20, %lt3A_25 : i32
    %ne3A_27 = arith.xori %lt3A_24, %lt3A_26 : i1
    %and3A_28 = arith.andi %ne3A_27, %ne3A_23 : i1
    %add3A_29 = arith.addi %rem3A_21, %select_n3A_20 : i32
    %select_n3A_30 = arith.select %and3A_28, %add3A_29, %rem3A_21 : i32
    %mul3A_31 = arith.constant 5000 : i32
    %mul3A_32 = arith.muli %select_n3A_30, %mul3A_31 : i32
    %scan3A = arith.constant 0 : i32
    %scan3A_33 = arith.constant 0 : i32
    %scan3A_34 = arith.constant 5008 : i32
    %scan3A_35 = arith.addi %scan3A_33, %scan3A_34 : i32
    %scan3A_36 = arith.constant 1 : i32
    scf.for %scan3A_48 = %scan3A_33 to %scan3A_35 step %scan3A_36  : i32 {
      %broadcast_in_dim3A = arith.constant 0.000000e+00 : f32
      %broadcast_in_dim3A_49 = vector.broadcast %broadcast_in_dim3A : f32 to vector<16xf32>
      %mul3A_50 = arith.constant 16 : i32
      %mul3A_51 = arith.muli %scan3A_48, %mul3A_50 : i32
      %swap3A = arith.index_cast %mul3A_51 : i32 to index
      %swap3A_52 = tpu.vector_load %arg11[%swap3A] {strides = array<i32>} : memref<80128xf32, #tpu.memory_space<vmem>>, vector<16xf32>,
      %swap3A_53 = vector.shape_cast %swap3A_52 : vector<16xf32> to vector<16xf32>
      %swap3A_54 = vector.shape_cast %broadcast_in_dim3A_49 : vector<16xf32> to vector<16xf32>
      tpu.vector_store %arg11[%swap3A], %swap3A_54 {strides = array<i32>} : memref<80128xf32, #tpu.memory_space<vmem>>, vector<16xf32>,
    }
    %scan3A_37 = arith.constant 5008 : i32
    %iota3A = tpu.iota {dimensions = array<i32: 0>} : vector<16xi32>
    %mul3A_38 = arith.constant 20096 : i32
    %mul3A_39 = arith.muli %select_n3A, %mul3A_38 : i32
    %scan3A_40 = arith.constant 0 : i32
    %scan3A_41 = arith.constant 0 : i32
    %scan3A_42 = arith.constant 157 : i32
    %scan3A_43 = arith.addi %scan3A_41, %scan3A_42 : i32
    %scan3A_44 = arith.constant 1 : i32
    scf.for %scan3A_48 = %scan3A_41 to %scan3A_43 step %scan3A_44  : i32 {
      %mul3A_49 = arith.constant 128 : i32
      %mul3A_50 = arith.muli %scan3A_48, %mul3A_49 : i32
      %add3A_51 = arith.addi %mul3A_39, %mul3A_50 : i32
      "tpu.region"() ({
        %run_scoped3A = tpu.sem_alloc : memref<!tpu.dma_semaphore, #tpu.memory_space<semaphore_mem>>
        %dma_start3A_58 = tpu.memref_slice %arg3[%add3A_51] : memref<321536xi32, #tpu.memory_space<hbm>> -> memref<128xi32, #tpu.memory_space<hbm>>
        %dma_start3A_59 = tpu.memref_slice %arg3[%add3A_51] : memref<321536xi32, #tpu.memory_space<hbm>> -> memref<128xi32, #tpu.memory_space<hbm>>
        tpu.enqueue_dma source(%dma_start3A_59 : memref<128xi32, #tpu.memory_space<hbm>>) target(%arg7 : memref<128xi32, #tpu.memory_space<vmem>>) target_semaphore(%run_scoped3A : memref<!tpu.dma_semaphore, #tpu.memory_space<semaphore_mem>>)
        %dma_wait3A_60 = tpu.memref_slice %arg3[%add3A_51] : memref<321536xi32, #tpu.memory_space<hbm>> -> memref<128xi32, #tpu.memory_space<hbm>>
        %dma_wait3A_61 = tpu.memref_slice %arg3[%add3A_51] : memref<321536xi32, #tpu.memory_space<hbm>> -> memref<128xi32, #tpu.memory_space<hbm>>
        tpu.wait_dma2 semaphore(%run_scoped3A : memref<!tpu.dma_semaphore, #tpu.memory_space<semaphore_mem>>) src(%dma_wait3A_61 : memref<128xi32, #tpu.memory_space<hbm>>) dst(%arg7 : memref<128xi32, #tpu.memory_space<vmem>>)
        tpu.yield
      }) : () -> ()
      "tpu.region"() ({
        %run_scoped3A = tpu.sem_alloc : memref<!tpu.dma_semaphore, #tpu.memory_space<semaphore_mem>>
        %dma_start3A_58 = tpu.memref_slice %arg4[%add3A_51] : memref<321536xi32, #tpu.memory_space<hbm>> -> memref<128xi32, #tpu.memory_space<hbm>>
        %dma_start3A_59 = tpu.memref_slice %arg4[%add3A_51] : memref<321536xi32, #tpu.memory_space<hbm>> -> memref<128xi32, #tpu.memory_space<hbm>>
        tpu.enqueue_dma source(%dma_start3A_59 : memref<128xi32, #tpu.memory_space<hbm>>) target(%arg8 : memref<128xi32, #tpu.memory_space<vmem>>) target_semaphore(%run_scoped3A : memref<!tpu.dma_semaphore, #tpu.memory_space<semaphore_mem>>)
        %dma_wait3A_60 = tpu.memref_slice %arg4[%add3A_51] : memref<321536xi32, #tpu.memory_space<hbm>> -> memref<128xi32, #tpu.memory_space<hbm>>
        %dma_wait3A_61 = tpu.memref_slice %arg4[%add3A_51] : memref<321536xi32, #tpu.memory_space<hbm>> -> memref<128xi32, #tpu.memory_space<hbm>>
        tpu.wait_dma2 semaphore(%run_scoped3A : memref<!tpu.dma_semaphore, #tpu.memory_space<semaphore_mem>>) src(%dma_wait3A_61 : memref<128xi32, #tpu.memory_space<hbm>>) dst(%arg8 : memref<128xi32, #tpu.memory_space<vmem>>)
        tpu.yield
      }) : () -> ()
      %mul3A_52 = arith.constant 4 : i32
      %mul3A_53 = arith.muli %add3A_51, %mul3A_52 : i32
      "tpu.region"() ({
        %run_scoped3A = tpu.sem_alloc : memref<!tpu.dma_semaphore, #tpu.memory_space<semaphore_mem>>
        %dma_start3A_58 = tpu.memref_slice %arg5[%mul3A_53] : memref<1286144xf32, #tpu.memory_space<hbm>> -> memref<512xf32, #tpu.memory_space<hbm>>
        %dma_start3A_59 = tpu.memref_slice %arg5[%mul3A_53] : memref<1286144xf32, #tpu.memory_space<hbm>> -> memref<512xf32, #tpu.memory_space<hbm>>
        tpu.enqueue_dma source(%dma_start3A_59 : memref<512xf32, #tpu.memory_space<hbm>>) target(%arg9 : memref<512xf32, #tpu.memory_space<vmem>>) target_semaphore(%run_scoped3A : memref<!tpu.dma_semaphore, #tpu.memory_space<semaphore_mem>>)
        %dma_wait3A_60 = tpu.memref_slice %arg5[%mul3A_53] : memref<1286144xf32, #tpu.memory_space<hbm>> -> memref<512xf32, #tpu.memory_space<hbm>>
        %dma_wait3A_61 = tpu.memref_slice %arg5[%mul3A_53] : memref<1286144xf32, #tpu.memory_space<hbm>> -> memref<512xf32, #tpu.memory_space<hbm>>
        tpu.wait_dma2 semaphore(%run_scoped3A : memref<!tpu.dma_semaphore, #tpu.memory_space<semaphore_mem>>) src(%dma_wait3A_61 : memref<512xf32, #tpu.memory_space<hbm>>) dst(%arg9 : memref<512xf32, #tpu.memory_space<vmem>>)
        tpu.yield
      }) : () -> ()
      %dma_start3A = arith.constant 0 : i32
      %dma_start3A_54 = arith.constant 0 : i32
      %dma_start3A_55 = tpu.memref_slice %arg2[%dma_start3A, %dma_start3A_54] : memref<10000x128xf32, #tpu.memory_space<hbm>> -> memref<10000x128xf32, #tpu.memory_space<hbm>>
      tpu.enqueue_indirect_dma source(%dma_start3A_55 : memref<10000x128xf32, #tpu.memory_space<hbm>>) target(%arg10 : memref<128x128xf32, #tpu.memory_space<vmem>>) offsets(%arg7 : memref<128xi32, #tpu.memory_space<vmem>>) semaphore(%arg12 : memref<!tpu.dma_semaphore, #tpu.memory_space<semaphore_mem>>)
      %dma_wait3A = arith.constant 0 : i32
      %dma_wait3A_56 = arith.constant 0 : i32
      %dma_wait3A_57 = tpu.memref_slice %arg2[%dma_wait3A, %dma_wait3A_56] : memref<10000x128xf32, #tpu.memory_space<hbm>> -> memref<10000x128xf32, #tpu.memory_space<hbm>>
      tpu.wait_indirect_dma semaphore(%arg12 : memref<!tpu.dma_semaphore, #tpu.memory_space<semaphore_mem>>) src(%dma_wait3A_57 : memref<10000x128xf32, #tpu.memory_space<hbm>>) dst(%arg10 : memref<128x128xf32, #tpu.memory_space<vmem>>)
    }
    %scan3A_45 = arith.constant 157 : i32
    %mul3A_46 = arith.constant 80000 : i32
    %mul3A_47 = arith.muli %add3A, %mul3A_46 : i32
    "tpu.region"() ({
      %run_scoped3A = tpu.sem_alloc : memref<!tpu.dma_semaphore, #tpu.memory_space<semaphore_mem>>
      %dma_start3A = arith.constant 0 : i32
      %dma_start3A_48 = tpu.memref_slice %arg11[%dma_start3A] : memref<80128xf32, #tpu.memory_space<vmem>> -> memref<80000xf32, #tpu.memory_space<vmem>>
      %dma_start3A_49 = tpu.memref_slice %arg6[%mul3A_47] : memref<2560000xf32, #tpu.memory_space<hbm>> -> memref<80000xf32, #tpu.memory_space<hbm>>
      %dma_start3A_50 = tpu.memref_slice %arg6[%mul3A_47] : memref<2560000xf32, #tpu.memory_space<hbm>> -> memref<80000xf32, #tpu.memory_space<hbm>>
      %dma_start3A_51 = arith.constant 0 : i32
      %dma_start3A_52 = tpu.memref_slice %arg11[%dma_start3A_51] : memref<80128xf32, #tpu.memory_space<vmem>> -> memref<80000xf32, #tpu.memory_space<vmem>>
      tpu.enqueue_dma source(%dma_start3A_52 : memref<80000xf32, #tpu.memory_space<vmem>>) target(%dma_start3A_50 : memref<80000xf32, #tpu.memory_space<hbm>>) target_semaphore(%run_scoped3A : memref<!tpu.dma_semaphore, #tpu.memory_space<semaphore_mem>>)
      %dma_wait3A = arith.constant 0 : i32
      %dma_wait3A_53 = tpu.memref_slice %arg11[%dma_wait3A] : memref<80128xf32, #tpu.memory_space<vmem>> -> memref<80000xf32, #tpu.memory_space<vmem>>
      %dma_wait3A_54 = tpu.memref_slice %arg6[%mul3A_47] : memref<2560000xf32, #tpu.memory_space<hbm>> -> memref<80000xf32, #tpu.memory_space<hbm>>
      %dma_wait3A_55 = tpu.memref_slice %arg6[%mul3A_47] : memref<2560000xf32, #tpu.memory_space<hbm>> -> memref<80000xf32, #tpu.memory_space<hbm>>
      %dma_wait3A_56 = arith.constant 0 : i32
      %dma_wait3A_57 = tpu.memref_slice %arg11[%dma_wait3A_56] : memref<80128xf32, #tpu.memory_space<vmem>> -> memref<80000xf32, #tpu.memory_space<vmem>>
      tpu.wait_dma2 semaphore(%run_scoped3A : memref<!tpu.dma_semaphore, #tpu.memory_space<semaphore_mem>>) src(%dma_wait3A_57 : memref<80000xf32, #tpu.memory_space<vmem>>) dst(%dma_wait3A_55 : memref<80000xf32, #tpu.memory_space<hbm>>)
      tpu.yield
    }) : () -> ()
    return
  }
}

module attributes {stable_mosaic.version = 14 : i64} {
  func.func @_ymat_body(%arg0: memref<10000x16xf32, #tpu.memory_space<vmem>>, %arg1: memref<16x128xf32, #tpu.memory_space<vmem>>, %arg2: memref<10000x128xf32, #tpu.memory_space<vmem>>) attributes {dimension_semantics = [], scalar_prefetch = 0 : i64, scratch_operands = 0 : i64, tpu.core_type = #tpu.core_type<tc>} {
    %get3A = arith.constant 0 : index
    %get3A_0 = arith.constant 0 : index
    %get3A_1 = vector.load %arg0[%get3A, %get3A_0] : memref<10000x16xf32, #tpu.memory_space<vmem>>, vector<10000x16xf32>
    %get3A_2 = arith.constant 0 : index
    %get3A_3 = arith.constant 0 : index
    %get3A_4 = vector.load %arg1[%get3A_2, %get3A_3] : memref<16x128xf32, #tpu.memory_space<vmem>>, vector<16x128xf32>
    %dot_general3A = arith.constant dense<0.000000e+00> : vector<10000x128xf32>
    %dot_general3A_5 = tpu.matmul %get3A_1, %get3A_4, %dot_general3A {dimension_numbers = #tpu.dot_dimension_numbers<[1], [0], [0], [1], [0, 0, 1, 1], [], []>, transpose_lhs_hint = false} : vector<10000x16xf32>, vector<16x128xf32>, vector<10000x128xf32> -> vector<10000x128xf32>
    %swap3A = arith.constant 0 : index
    %swap3A_6 = arith.constant 0 : index
    %swap3A_7 = vector.load %arg2[%swap3A, %swap3A_6] : memref<10000x128xf32, #tpu.memory_space<vmem>>, vector<10000x128xf32>
    tpu.vector_store %arg2[%swap3A, %swap3A_6], %dot_general3A_5 {strides = array<i32>} : memref<10000x128xf32, #tpu.memory_space<vmem>>, vector<10000x128xf32>,
    return
  }
}

module attributes {stable_mosaic.version = 14 : i64} {
  func.func @_combine_body(%arg0: memref<32x625x128xf32, #tpu.memory_space<vmem>>, %arg1: memref<1x128xf32, #tpu.memory_space<vmem>>, %arg2: memref<1250x128xf32, #tpu.memory_space<vmem>>) attributes {dimension_semantics = [], scalar_prefetch = 0 : i64, scratch_operands = 0 : i64, tpu.core_type = #tpu.core_type<tc>} {
    %get3A = arith.constant 0 : index
    %get3A_0 = arith.constant 0 : index
    %get3A_1 = arith.constant 0 : index
    %get3A_2 = vector.load %arg0[%get3A, %get3A_0, %get3A_1] : memref<32x625x128xf32, #tpu.memory_space<vmem>>, vector<32x625x128xf32>
    %reshape3A = vector.shape_cast %get3A_2 : vector<32x625x128xf32> to vector<16x1250x128xf32>
    %reduce_sum3A = arith.constant dense<0.000000e+00> : vector<1250x128xf32>
    %reduce_sum3A_3 = vector.multi_reduction <add>, %reshape3A, %reduce_sum3A [0] : vector<16x1250x128xf32> to vector<1250x128xf32>
    %get3A_4 = arith.constant 0 : index
    %get3A_5 = arith.constant 0 : index
    %get3A_6 = vector.load %arg1[%get3A_4, %get3A_5] : memref<1x128xf32, #tpu.memory_space<vmem>>, vector<1x128xf32>
    %add3A = vector.broadcast %get3A_6 : vector<1x128xf32> to vector<1250x128xf32>
    %add3A_7 = arith.addf %reduce_sum3A_3, %add3A : vector<1250x128xf32>
    %max3A = arith.constant 0.000000e+00 : f32
    %max3A_8 = vector.broadcast %max3A : f32 to vector<1250x128xf32>
    %max3A_9 = arith.maximumf %add3A_7, %max3A_8 : vector<1250x128xf32>
    %swap3A = arith.constant 0 : index
    %swap3A_10 = arith.constant 0 : index
    %swap3A_11 = vector.load %arg2[%swap3A, %swap3A_10] : memref<1250x128xf32, #tpu.memory_space<vmem>>, vector<1250x128xf32>
    tpu.vector_store %arg2[%swap3A, %swap3A_10], %max3A_9 {strides = array<i32>} : memref<1250x128xf32, #tpu.memory_space<vmem>>, vector<1250x128xf32>,
    return
  }
}

</mosaic_0001>

<sc_bundles>
// kernel: _run.5.cloned.1.call-start
scs
__scs_entry_jumppad:
0x0: {  	(pc) =	sbr.rel $0x88, $3  }
0x1: {  	(tag) =	ssettag $0x0;
	lr =	simm.s32 $0x1  }
0x2: {  	[smem:$0x3F9B] =	sst lr;
	_ =	strace $0xD0000000  }
0x3: {  	_ = 	snop  }
0x4: {  	_ = 	snop  }
0x5: {  	_ = 	snop  }
0x6: {  	_ = 	snop  }
0x7: {  	_ = 	snop  }
__scs_overlays_trampoline_lowered:
0x8: {  	[smem:$0x3FAA] =	sst s0  }
0x9: {  	[smem:$0x3FAB] =	sst s1  }
0xa: {  	[smem:$0x3FAC] =	sst s2  }
0xb: {  	[smem:$0x3FAD] =	sst s3  }
0xc: {  	[smem:$0x3FAE] =	sst s4  }
0xd: {  	[smem:$0x3FAF] =	sst s5  }
0xe: {  	[smem:$0x3FB0] =	sst s6  }
0xf: {  	[smem:$0x3FB1] =	sst s7  }
0x10: {  	[smem:$0x3FB2] =	sst s8  }
0x11: {  	[smem:$0x3FB3] =	sst s9;
	s0 =	simm.s32 @!p0 $0x0  }
0x12: {  	s1 =	sld [smem:$0x3F99];
	s0 =	simm.s32 @p0 $0x1  }
0x13: {  	[smem:$0x3FB4] =	sst s0;
	s0 =	simm.s32 @!p1 $0x0  }
0x14: {  	s2 =	sld [smem:$0x3F98];
	s0 =	simm.s32 @p1 $0x1  }
0x15: {  	[smem:$0x3FB5] =	sst s0;
	s0 =	simm.s32 @!p2 $0x0  }
0x16: {  	s3 =	sld [smem:$0x3FDB];
	s0 =	simm.s32 @p2 $0x1  }
0x17: {  	s4 =	simm.s32 $0x1BF5;
	[smem:$0x3FB7] =	sst s0  }
0x18: {  	s0 =	sld [smem:$0x3F9A];
	_ =	swait.ge [sflag:s4], $0x0  }
0x19: {  	s7 =	sld [smem:$0x3F9B]  }
0x1a: {  	s8 =	sadd.s32 $0xFFFFE003, lr  }
0x1b: {  	s9 =	sadd.s32 $0xFFFFFEF7, lr;
	s5 =	simm.s32 $0xFFFFFFFF;
	p2 =	slt.u32 s8, $0xFFFFF086  }
0x1c: {  	p1 =	slt.u32 s9, $0xF7A;
	s5 =	simm.s32 @!p2 $0x0  }
0x1d: {  	s5 =	simm.s32 @p1 $0x1;
	p0 =	seq.s32 s7, s2  }
0x1e: {  	s7 =	smul.u32 @!p0 $0xF7A, s2;
	p2 =	seq.s32 @!p0 s5, $0x0  }
0x1f: {  	s9 =	smul.u32 $0xF7A, s1;
	s8 =	simm.s32 @!p0 $0x1BF5;
	p2 =	por !p2, p0  }
0x20: {  	[sflag:s8] =	ssyncset.s32 @!p0 $0xFFFFF086;
	s6 =	sadd.s32 @!p0 s3, s7;
	s7 =	simm.s32 @!p0 $0x108  }
0x21: {  	s3 =	sadd.s32 s3, s9;
	s6 =	sadd.s32 @!p0 $0x88, s6;
	s7 =	simm.s32 @p2 $0x1082  }
0x22: {  	[simem:s7], [sflag:s8] =	dma.local @!p0 [hbm:s6], $0xF7A  }
0x23: {  	s9 =	sor.u32 $0xD0000000, s2;
	s6 =	simm.s32 $0x108;
	_ =	swait.ge @!p0 [sflag:s8], $0x0  }
0x24: {  	s3 =	sadd.s32 $0x88, s3;
	s6 =	simm.s32 @!p1 $0x1082;
	[sflag:s4] =	ssyncset.s32 $0xFFFFF086  }
0x25: {  	[simem:s6], [sflag:s4] =	dma.local [hbm:s3], $0xF7A  }
0x26: {  	[smem:$0x3F9B] =	sst s1;
	(tag) =	ssettag s2;
	_ =	strace s9  }
0x27: {  	s1 =	sld [smem:$0x3FAB]  }
0x28: {  	s2 =	sld [smem:$0x3FAC]  }
0x29: {  	s4 =	sld [smem:$0x3FAE]  }
0x2a: {  	p0 =	seq.s32 s5, $0x0;
	s5 =	sld [smem:$0x3FAF]  }
0x2b: {  	s6 =	sld [smem:$0x3FB0]  }
0x2c: {  	s7 =	sld [smem:$0x3FB1]  }
0x2d: {  	s3 =	simm.s32 $0x108;
	s8 =	sld [smem:$0x3FB2]  }
0x2e: {  	s3 =	simm.s32 @!p0 $0x1082;
	s9 =	sld [smem:$0x3FB3]  }
0x2f: {  	lr =	sadd.s32 s0, s3;
	s0 =	sld [smem:$0x3FAA]  }
0x30: {  	s3 =	sld [smem:$0x3FAD]  }
0x31: {  	[smem:$0x3FB6] =	sst s10  }
0x32: {  	s10 =	sld [smem:$0x3FB4];
	_ =	sdelay $0x3  }
0x33: {  	p0 =	seq.s32 s10, $0x1;
	s10 =	sld [smem:$0x3FB6];
	_ =	sdelay $0x3  }
0x34: {  	[smem:$0x3FB6] =	sst s10  }
0x35: {  	s10 =	sld [smem:$0x3FB5];
	_ =	sdelay $0x3  }
0x36: {  	p1 =	seq.s32 s10, $0x1;
	s10 =	sld [smem:$0x3FB6];
	_ =	sdelay $0x3  }
0x37: {  	[smem:$0x3FB6] =	sst s10  }
0x38: {  	s10 =	sld [smem:$0x3FB7]  }
0x39: {  	_ = 	snop;
	(pc) =	sbr.ind lr, $3  }
0x3a: {  	_ = 	snop  }
0x3b: {  	_ = 	snop  }
0x3c: {  	p2 =	seq.s32 s10, $0x1;
	s10 =	sld [smem:$0x3FB6]  }
0x3d: {  	_ =	shalt  }
0x3e: {  	_ =	shalt  }
0x3f: {  	_ =	shalt  }
0x40: {  	_ =	shalt  }
0x41: {  	_ =	shalt  }
0x42: {  	_ =	shalt  }
0x43: {  	_ =	shalt  }
0x44: {  	_ =	shalt  }
0x45: {  	_ =	shalt  }
0x46: {  	_ =	shalt  }
0x47: {  	_ =	shalt  }
0x48: {  	_ =	shalt  }
0x49: {  	_ =	shalt  }
0x4a: {  	_ =	shalt  }
0x4b: {  	_ =	shalt  }
0x4c: {  	_ =	shalt  }
0x4d: {  	_ =	shalt  }
0x4e: {  	_ =	shalt  }
0x4f: {  	_ =	shalt  }
0x50: {  	_ =	shalt  }
0x51: {  	_ =	shalt  }
0x52: {  	_ =	shalt  }
0x53: {  	_ =	shalt  }
0x54: {  	_ =	shalt  }
0x55: {  	_ =	shalt  }
0x56: {  	_ =	shalt  }
0x57: {  	_ =	shalt  }
0x58: {  	_ =	shalt  }
0x59: {  	_ =	shalt  }
0x5a: {  	_ =	shalt  }
0x5b: {  	_ =	shalt  }
0x5c: {  	_ =	shalt  }
0x5d: {  	_ =	shalt  }
0x5e: {  	_ =	shalt  }
0x5f: {  	_ =	shalt  }
0x60: {  	_ =	shalt  }
0x61: {  	_ =	shalt  }
0x62: {  	_ =	shalt  }
0x63: {  	_ =	shalt  }
0x64: {  	_ =	shalt  }
0x65: {  	_ =	shalt  }
0x66: {  	_ =	shalt  }
0x67: {  	_ =	shalt  }
0x68: {  	_ =	shalt  }
0x69: {  	_ =	shalt  }
0x6a: {  	_ =	shalt  }
0x6b: {  	_ =	shalt  }
0x6c: {  	_ =	shalt  }
0x6d: {  	_ =	shalt  }
0x6e: {  	_ =	shalt  }
0x6f: {  	_ =	shalt  }
0x70: {  	_ =	shalt  }
0x71: {  	_ =	shalt  }
0x72: {  	_ =	shalt  }
0x73: {  	_ =	shalt  }
0x74: {  	_ =	shalt  }
0x75: {  	_ =	shalt  }
0x76: {  	_ =	shalt  }
0x77: {  	_ =	shalt  }
0x78: {  	_ =	shalt  }
0x79: {  	_ =	shalt  }
0x7a: {  	_ =	shalt  }
0x7b: {  	_ =	shalt  }
0x7c: {  	_ =	shalt  }
0x7d: {  	_ =	shalt  }
0x7e: {  	_ =	shalt  }
0x7f: {  	_ =	shalt  }
0x80: {  	_ =	shalt  }
0x81: {  	_ =	shalt  }
0x82: {  	_ =	shalt  }
0x83: {  	_ =	shalt  }
0x84: {  	_ =	shalt  }
0x85: {  	_ =	shalt  }
0x86: {  	_ =	shalt  }
0x87: {  	_ =	shalt  }
.Lfunc_end0:
.L_simem_size_0:
called_computation_lowered:
.L_overlay_start_0:
0x88: {  	s2 =	sld [smem:$0x3FD9]  }
0x89: {  	s3 =	sld [smem:$0x3FFE];
	_ =	sdelay $0x1  }
0x8a: {  	s1 =	srdreg.scid  }
0x8b: {  	s0 =	sand.u32 $0x1, s1  }
0x8c: {  	s16 =	sshll.u32 s0, $0xA;
	s2 =	sadd.s32 s3, s2  }
0x8d: {  	s2 =	sadd.s32 s2, s16  }
0x8e: {  	[smem:$0x3FC2] =	sst s2  }
0x8f: {  	_ = 	snop  }
0x90: {  	(tm) =	ssettm $0x1  }
0x91: {  	s17 =	sld [smem:$0x3FFB];
	_ =	sdelay $0x3  }
0x92: {  	_ =	strace s17  }
0x93: {  	s2 =	sld [smem:$0x3FFC];
	_ =	sdelay $0x3  }
0x94: {  	_ =	strace s2  }
0x95: {  	s2 =	sld [smem:$0x3FFD];
	_ =	sdelay $0x3  }
0x96: {  	_ =	strace s2  }
0x97: {  	_ =	strace $0x8FFFFFFF  }
0x98: {  	s18 =	sld [smem:$0x3FDB];
	_ =	sdelay $0x1  }
0x99: {  	s19 =	simm.s32 $_scs_section_size  }
0x9a: {  	s4 =	simm.s32 $_size__tile_overlayer_lowered;
	s5 =	simm.s32 $_tile_overlayer_lowered  }
0x9b: {  	s22 =	simm.s32 $0x1BFF;
	s21 =	sshll.u32 s5, $0x1;
	s2 =	sadd.s32 s19, s18  }
0x9c: {  	s6 =	simm.s32 $0x0;
	s20 =	sshll.u32 s4, $0x1;
	s4 =	sadd.s32 s21, s2  }
0x9d: {  	[timem:s6], [sflag:s22] =	dma.local [hbm:s4], s20  }
0x9e: {  	_ =	swait.ge [sflag:s22], s20  }
0x9f: {  	s3 =	ssub.s32 $0x0, s20;
	[sflag:s22] =	ssyncset.done $0x0  }
0xa0: {  	[sflag:s22] =	ssyncadd.s32 s3;
	_ =	sdelay $0x1  }
0xa1: {  	s23 =	simm.s32 $0x1B8B  }
0xa2: {  	_ =	swait.ge [sflag:s23], $0x1  }
0xa3: {  	[sflag:s23] =	ssyncset.done $0x0  }
0xa4: {  	s25 =	simm.s32 $0x1B8E;
	s24 =	sld [smem:$0x3FFE];
	[sflag:s23] =	ssyncadd.s32 $0xFFFFFFFF  }
0xa5: {  	s26 =	simm.s32 $execute0_lowered;
	[smem:$0x3FD2] =	sst s25  }
0xa6: {  	s4 =	sshll.u32 s26, $0x1;
	_ =	strace $0x80000046;
	[dreg:$0x1] =	wrdreg $0xFFFFFFFF  }
0xa7: {  	s28 =	simm.s32 $_size_execute0_lowered;
	s2 =	sadd.s32 s2, s4;
	[dreg:$0x0] =	wrdreg $0x0  }
0xa8: {  	s4 =	sshll.u32 s28, $0x1;
	[dreg:$0x2] =	wrdreg s2  }
0xa9: {  	[dreg:$0x3] =	wrdreg s4  }
0xaa: {  	[dreg:$0x4] =	wrdreg $0xC0  }
0xab: {  	_ =	task [dreg:s6], $0x5FFFF  }
0xac: {  	[dreg:$0x1] =	wrdreg $0xFFFFFFFF  }
0xad: {  	[dreg:$0x0] =	wrdreg $0x60  }
0xae: {  	[dreg:$0x2] =	wrdreg s24  }
0xaf: {  	[dreg:$0x3] =	wrdreg $0x9  }
0xb0: {  	_ =	task.clear_ibuf [dreg:s6], $0x4FFFF;
	_ =	strace $0x90000046  }
0xb1: {  	s29 =	simm.s32 $0x9;
	_ =	strace $0x80000048  }
0xb2: {  	_ =	swait.ge [sflag:s29], $0x1  }
0xb3: {  	[sflag:s29] =	ssyncadd.s32 $0xFFFFFFFF  }
0xb4: {  	_ =	strace $0x90000048  }
0xb5: {  	_ =	sfence  }
0xb6: {  	s30 =	sld [smem:$0x0];
	_ =	sdelay $0x2  }
0xb7: {  	s31 =	sshll.u32 s1, $0xD;
	s1 =	sshrl.u32 s1, $0x2  }
0xb8: {  	s3 =	sand.u32 $0x4000, s31;
	s1 =	sadd.s32 s1, s30  }
0xb9: {  	s0 =	sor.u32 s3, s0;
	s1 =	sshll.u32 s1, $0x11  }
0xba: {  	s0 =	sor.u32 s1, s0  }
0xbb: {  	s0 =	sadd.s32 $0x8F2B, s0  }
0xbc: {  	[sflag:s0] =	ssyncadd.remote.s32 $0x1  }
0xbd: {  	_ =	sfence.sel $0xFFFF  }
0xbe: {  	[dreg:$0x0] =	wrdreg $0xFFFFFFFF;
	(pc) =	sbr.abs _section_cstart, $3  }
0xbf: {  	[dreg:$0x1] =	wrdreg $0xFFFFFFFF  }
0xc0: {  	_ =	task.clear_ibuf [dreg:s6], $0x2FFFF;
	_ =	strace $0x9FFFFFFF  }
0xc1: {  	(tm) =	ssettm $0x7FFFFFFF  }
tec
execute0_lowered:
.L_overlay_start_1:
0x0: {  	(tag) =	ssettag $0x1  }
0x1: {  	s6 =	rddreg [dreg:$0x0]  }
0x2: {  	s0 =	rddreg [dreg:$0x1];
	s2 =	simm.s32 $0x0;
	s3 =	srdreg.scid  }
0x3: {  	s1 =	stileid.u32;
	s9 =	simm.s32 $0xFFFFFFFF;
	s12 =	simm.s32 $0x100  }
0x4: {  	s13 =	simm.s32 $0x300;
	s14 =	simm.s32 $0x1;
	s15 =	simm.s32 $0x4300  }
0x5: {  	s16 =	simm.s32 $0x0;
	s7 =	sand.u32 $0x1, s3;
	s31 =	sshll.u32 s1, $0x1  }
0x6: {  	[smem:$0x7FF] =	sst s2;
	s3 =	sadd.s32 $0x3C000, s6;
	s8 =	sor.u32 s7, s31  }
0x7: {  	s4 =	sadd.s32 $0x28400, s6;
	p1 =	seq.s32 s7, $0x1;
	p0 =	seq.s32 s8, $0x0  }
0x8: {  	s5 =	sadd.s32 $0x32200, s6;
	s10 =	smul.u32 $0x4E80, s1;
	p0 =	por !p0, !p1  }
0x9: {  	s7 =	ssub.s32 $0x2, s7;
	s8 =	smul.u32 $0x2710, s8;
	p0 =	por !p0, !p0  }
0xa: {  	_ =	strace $0x80000047;
	s11 =	sshrl.u32 s7, $0x1;
	s9 =	simm.s32 @!p0 $0x0  }
0xb: {  	s11 =	ssub.s32 s7, s11;
	s8 =	sadd.s32 s8, s6;
	s9 =	smul.u32 $0x4E80, s9  }
0xc: {  	s6 =	sadd.s32 $0x1000, s6;
	s7 =	sadd.s32 $0x63200, s8;
	s8 =	smax.u32 s11, $0x1  }
0xd: {  	v0 =	vimm.f32 $0.0e+00;
	s11 =	simm.s32 $0x80;
	s9 =	sadd.s32 s9, s10;
	s10 =	simm.s32 $0x2  }
.LBB2_1:
0xe: {  	s17 =	simm.s32 $0x0  }
.LBB2_2:
0xf: {  	p0 =	sne.s32 s17, $0x4E3C0  }
.Ltmp0:
0x10: {  	_ = 	snop;
	(pc) =	sbr.rel @p0 .LBB2_2-.Ltmp0, $3  }
0x11: {  	_ =	sdelay $0x1  }
0x12: {  	s18 =	sshra.s32 s17, $0x2  }
0x13: {  	s17 =	sadd.s32 $0x40, s17;
	[tilespmem:s18+$0x4300] =	vst v0  }
0x14: {  	s17 =	sadd.s32 $0x0, s9  }
0x15: {  	s18 =	sshrl.u32 s17, $0x3  }
0x16: {  	s19 =	sadd.s32 s4, s18  }
0x17: {  	[tilespmem:s2], [sflag:$0x2] =	stream.linear.gather [hbm4b:s19+s2], $0x80, $0x38;
	[tilespmem:$0x17C00] =	vst v63  }
0x18: {  	_ =	swait.ge [sflag:s10], $0x80  }
0x19: {  	[sflag:s10] =	ssyncset.done $0x0  }
0x1a: {  	s18 =	sadd.s32 s5, s18;
	[sflag:s10] =	ssyncadd.s32 $0xFFFFFF80  }
0x1b: {  	[tilespmem:s11], [sflag:$0x2] =	stream.linear.gather [hbm4b:s18+s2], $0x80, $0x38;
	[tilespmem:$0x17C00] =	vst v63  }
0x1c: {  	s17 =	sshrl.u32 s17, $0x1;
	_ =	swait.ge [sflag:s10], $0x80  }
0x1d: {  	s17 =	sand.u32 $0x1FFFFFC0, s17;
	[sflag:s10] =	ssyncset.done $0x0  }
0x1e: {  	s17 =	sadd.s32 s6, s17;
	[sflag:s10] =	ssyncadd.s32 $0xFFFFFF80  }
0x1f: {  	[tilespmem:s12], [sflag:$0x2] =	stream.linear.gather [hbm4b:s17+s2], $0x200, $0x38;
	[tilespmem:$0x17C00] =	vst v63  }
0x20: {  	_ =	swait.ge [sflag:s10], $0x200  }
0x21: {  	[sflag:s10] =	ssyncset.done $0x0  }
0x22: {  	[sflag:s10] =	ssyncadd.s32 $0xFFFFFE00  }
0x23: {  	[tilespmem:s13], [sflag:$0x1] =	stream.indirect.gather [hbm4b:s3+s11], $0x80, s2, s11, $0xb8;
	[tilespmem:$0x17C00] =	vst v63  }
0x24: {  	s31 =	sadd.s32 $0x80, s9;
	s19 =	simm.s32 $0x100;
	_ =	swait.ge [sflag:s14], $0x4000  }
0x25: {  	s18 =	sshrl.u32 s31, $0x3;
	s17 =	sshrl.u32 s31, $0x1;
	[sflag:s14] =	ssyncset.done $0x0  }
.LBB2_4:
0x26: {  	s20 =	sadd.s32 s4, s18  }
0x27: {  	[sflag:s14] =	ssyncadd.s32 $0xFFFFC000;
	s21 =	smov.u32 s19;
	s22 =	sadd.s32 $0x80, s19  }
0x28: {  	[tilespmem:s2], [sflag:$0x2] =	stream.linear.gather [hbm4b:s20+s2], $0x80, $0x38;
	[tilespmem:$0x17C00] =	vst v63  }
0x29: {  	p0 =	sne.s32 s19, $0x4E00;
	_ =	swait.ge [sflag:s10], $0x80  }
0x2a: {  	[sflag:s10] =	ssyncset.done $0x0  }
0x2b: {  	s18 =	sadd.s32 s5, s18;
	[sflag:s10] =	ssyncadd.s32 $0xFFFFFF80  }
0x2c: {  	[tilespmem:s11], [sflag:$0x2] =	stream.linear.gather [hbm4b:s18+s2], $0x80, $0x38;
	[tilespmem:$0x17C00] =	vst v63  }
0x2d: {  	_ =	swait.ge [sflag:s10], $0x80  }
0x2e: {  	s17 =	sand.u32 $0x1FFFFFC0, s17;
	[sflag:s10] =	ssyncset.done $0x0  }
0x2f: {  	s17 =	sadd.s32 s6, s17;
	[sflag:s10] =	ssyncadd.s32 $0xFFFFFF80  }
0x30: {  	[tilespmem:s12], [sflag:$0x2] =	stream.linear.gather [hbm4b:s17+s2], $0x200, $0x38;
	[tilespmem:$0x17C00] =	vst v63  }
0x31: {  	_ =	swait.ge [sflag:s10], $0x200  }
.Ltmp1:
0x32: {  	[sflag:s10] =	ssyncset.done $0x0;
	(pc) =	sbr.rel @p0 .LBB2_4-.Ltmp1, $4  }
0x33: {  	[sflag:s10] =	ssyncadd.s32 $0xFFFFFE00  }
0x34: {  	[tilespmem:s13], [sflag:$0x1] =	stream.indirect.gather [hbm4b:s3+s11], $0x80, s2, s11, $0xb8;
	[tilespmem:$0x17C00] =	vst v63  }
0x35: {  	s19 =	smov.u32 s22;
	s17 =	sadd.s32 s21, s9;
	_ =	swait.ge [sflag:s14], $0x4000  }
0x36: {  	s18 =	sshrl.u32 s17, $0x3;
	s17 =	sshrl.u32 s17, $0x1;
	[sflag:s14] =	ssyncset.done $0x0  }
0x37: {  	s19 =	sadd.s32 s4, s18;
	[sflag:s14] =	ssyncadd.s32 $0xFFFFC000  }
0x38: {  	[tilespmem:s2], [sflag:$0x2] =	stream.linear.gather [hbm4b:s19+s2], $0x80, $0x38;
	[tilespmem:$0x17C00] =	vst v63  }
0x39: {  	_ =	swait.ge [sflag:s10], $0x80  }
0x3a: {  	[sflag:s10] =	ssyncset.done $0x0  }
0x3b: {  	s31 =	sadd.s32 s5, s18;
	[sflag:s10] =	ssyncadd.s32 $0xFFFFFF80  }
0x3c: {  	[tilespmem:s11], [sflag:$0x2] =	stream.linear.gather [hbm4b:s31+s2], $0x80, $0x38;
	[tilespmem:$0x17C00] =	vst v63  }
0x3d: {  	_ =	swait.ge [sflag:s10], $0x80  }
0x3e: {  	s17 =	sand.u32 $0x1FFFFFC0, s17;
	[sflag:s10] =	ssyncset.done $0x0  }
0x3f: {  	s17 =	sadd.s32 s6, s17;
	[sflag:s10] =	ssyncadd.s32 $0xFFFFFF80  }
0x40: {  	[tilespmem:s12], [sflag:$0x2] =	stream.linear.gather [hbm4b:s17+s2], $0x200, $0x38;
	[tilespmem:$0x17C00] =	vst v63  }
0x41: {  	_ =	swait.ge [sflag:s10], $0x200  }
0x42: {  	[sflag:s10] =	ssyncset.done $0x0  }
0x43: {  	[sflag:s10] =	ssyncadd.s32 $0xFFFFFE00  }
0x44: {  	[tilespmem:s13], [sflag:$0x1] =	stream.indirect.gather [hbm4b:s3+s11], $0x80, s2, s11, $0xb8;
	[tilespmem:$0x17C00] =	vst v63  }
0x45: {  	s16 =	sadd.s32 $0x1, s16;
	_ =	swait.ge [sflag:s14], $0x4000  }
0x46: {  	p0 =	sne.s32 s16, s8;
	[sflag:s14] =	ssyncset.done $0x0  }
.Ltmp2:
0x47: {  	[sflag:s14] =	ssyncadd.s32 $0xFFFFC000;
	(pc) =	sbr.rel @p0 .LBB2_1-.Ltmp2, $4  }
0x48: {  	[hbm4b:s7+s2] =	stream.linear.scatter [tilespmem:s15], [sflag:$0x2], $0x13880, $0x38;
	[tilespmem:$0x17C00] =	vst v63  }
0x49: {  	_ =	swait.ge [sflag:s10], $0x13880  }
0x4a: {  	[sflag:s10] =	ssyncset.done $0x0  }
0x4b: {  	[sflag:s10] =	ssyncadd.s32 $0xFFFEC780  }
0x4c: {  	_ =	sfence.sel $0x180000  }
0x4d: {  	[bflag:$0x0] =	sbarrier.arrive $0xFFFF  }
0x4e: {  	p0 =	sne.s32 s1, $0x0;
	_ =	strace $0x90000047  }
0x4f: {  	s0 =	sadd.s32 @!p0 $0x100000, s0;
	[bflag:$0x2] =	sbarrier.arrive $0xFFFF  }
0x50: {  	[sflag:s0] =	ssyncadd.tile.s32 @!p0 $0x1;
	_ =	shalt  }
.Lfunc_end2:
_tile_overlayer_lowered:
.L_overlay_start_2:
0x51: {  	(tag) =	ssettag $0x2  }
0x52: {  	s0 =	rddreg [dreg:$0x0];
	s2 =	stileid.u32  }
0x53: {  	s1 =	rddreg [dreg:$0x1];
	p0 =	sne.s32 s2, $0x0  }
0x54: {  	s3 =	rddreg [dreg:$0x2];
	[bflag:$0x3] =	sbarrier.arrive $0xFFFF;
	s2 =	simm.s32 @!p0 $0x1C02  }
0x55: {  	[timem:s3], [sflag:s2] =	dma.local @!p0 [hbm:s0], s1  }
0x56: {  	s0 =	simm.s32 @!p0 $0x2  }
0x57: {  	_ =	swait.ge @!p0 [sflag:s0], s1  }
0x58: {  	s1 =	ssub.s32 @!p0 $0x0, s1;
	[sflag:s0] =	ssyncset.done @!p0 $0x0  }
0x59: {  	[sflag:s0] =	ssyncadd.s32 @!p0 s1  }
0x5a: {  	[bflag:$0x3] =	sbarrier.arrive $0xFFFF  }
0x5b: {  	_ =	shalt  }

</sc_bundles>
